<compile_context>
chip_gen: v7x
topology: tpu7x:2x2x1
jax: 0.10.2.dev20260603
libtpu: 0.0.44.dev20260713+nightly
codegen_flags: <defaults>
</compile_context>

<pallas_src>
import jax
import jax.numpy as jnp
from jax import lax
from jax.experimental import pallas as pl
from jax.experimental.pallas import tpu as pltpu
from jax.experimental.pallas import tpu_sc as plsc

NUM_ITEMS = 1000000
BATCH = 16384
HIST = 200
N = BATCH * HIST

NC = 2
NS = 16
NW = NC * NS

N_PER_W = N // NW
CHUNK = 12800
N_CHUNKS = N_PER_W // CHUNK
STAGE_PIECE = 10000
N_PIECES = NUM_ITEMS // STAGE_PIECE


def _gather_kernel(table_hbm, idx_hbm, out_hbm, tab_s,
                   idx0, idx1, rows0, rows1, gsem, ssem):
    cid = lax.axis_index("c")
    sid = lax.axis_index("s")
    wid = sid * NC + cid
    base = wid * N_PER_W

    def coff(c):
        return pl.multiple_of(base + c * CHUNK, CHUNK)

    def sbody(p, carry):
        @pl.when(lax.rem(p, NS) == sid)
        def _():
            off = pl.multiple_of(p * STAGE_PIECE, 8)
            pltpu.sync_copy(table_hbm.at[pl.ds(off, STAGE_PIECE)],
                            rows0.at[pl.ds(0, STAGE_PIECE)])
            pltpu.sync_copy(rows0.at[pl.ds(0, STAGE_PIECE)],
                            tab_s.at[pl.ds(off, STAGE_PIECE)])
        return carry

    lax.fori_loop(0, N_PIECES, sbody, 0)

    idx = (idx0, idx1)
    rows = (rows0, rows1)
    pltpu.sync_copy(idx_hbm.at[pl.ds(coff(0), CHUNK)], idx[0])
    pltpu.sync_copy(idx_hbm.at[pl.ds(coff(1), CHUNK)], idx[1])
    plsc.subcore_barrier()

    gs = [pltpu.async_copy(tab_s.at[idx[0]], rows[0], gsem),
          pltpu.async_copy(tab_s.at[idx[1]], rows[1], gsem)]
    for c in range(N_CHUNKS):
        b = c & 1
        gs[b].wait()
        s = pltpu.async_copy(rows[b], out_hbm.at[pl.ds(coff(c), CHUNK)], ssem)
        if c + 2 < N_CHUNKS:
            pltpu.sync_copy(idx_hbm.at[pl.ds(coff(c + 2), CHUNK)], idx[b])
            s.wait()
            gs[b] = pltpu.async_copy(tab_s.at[idx[b]], rows[b], gsem)
        else:
            s.wait()


@jax.jit
def kernel(item_ids, score_embedding):
    idx = item_ids.reshape(N)
    table = score_embedding.reshape(NUM_ITEMS)
    mesh = plsc.VectorSubcoreMesh(core_axis_name="c", subcore_axis_name="s")
    out = pl.kernel(
        _gather_kernel,
        mesh=mesh,
        out_type=jax.ShapeDtypeStruct((N,), jnp.float32),
        scratch_types=[
            pltpu.VMEM_SHARED((NUM_ITEMS,), jnp.float32),
            pltpu.VMEM((CHUNK,), jnp.int32),
            pltpu.VMEM((CHUNK,), jnp.int32),
            pltpu.VMEM((CHUNK,), jnp.float32),
            pltpu.VMEM((CHUNK,), jnp.float32),
            pltpu.SemaphoreType.DMA,
            pltpu.SemaphoreType.DMA,
        ],
    )(table, idx)
    return out.reshape(BATCH, HIST, 1)

# --- scband reference (transcript-rebuilt; emitter-appended) ---
"""Pipeline reference for scband-tabular-pl-11845519802586 (READ-ONLY COPY).

The authoritative reference and input builder live on the scoring server;
editing this copy changes nothing except your own understanding.
"""

import jax, jax.numpy as jnp
import numpy as np

NUM_ITEMS = 1000000
BATCH = 16384
HIST = 200

def setup_inputs(seed: int = 0) -> dict:
    key = jax.random.key(seed)
    k1, k2 = jax.random.split(key)
    item_ids = jax.random.randint(k1, (BATCH, HIST), 0, NUM_ITEMS, dtype=jnp.int64 if jax.config.jax_enable_x64 else jnp.int32).astype(jnp.int32)
    # Learned parameter: score embedding table [num_items, 1].
    # Module inits it to zeros; we use small random values so outputs/grads are nontrivial.
    score_embedding = jax.random.normal(k2, (NUM_ITEMS, 1), dtype=jnp.float32) * 0.01
    return {"item_ids": item_ids, "score_embedding": score_embedding}

def reference(item_ids, score_embedding):
    # nn.Embedding(num_items, 1)(item_ids) -> gather rows
    return jnp.take(score_embedding, item_ids, axis=0)

if __name__ == "__main__":
    import jax
    _d = setup_inputs()
    print(jax.jit(kernel)(*tuple(_d.values())))

</pallas_src>

<mosaic_0001>
#map = affine_map<(d0, d1) -> (0)>
module attributes {stable_mosaic.version = 14 : i64} {
  func.func @_gather_kernel(%arg0: i32, %arg1: i32, %arg2: memref<1000000xf32, #tpu.memory_space<hbm>>, %arg3: memref<3276800xi32, #tpu.memory_space<hbm>>, %arg4: memref<3276800xf32, #tpu.memory_space<hbm>>, %arg5: memref<1000000xf32, #tpu.memory_space<vmem_shared>>, %arg6: memref<12800xi32, #tpu.memory_space<vmem>>, %arg7: memref<12800xi32, #tpu.memory_space<vmem>>, %arg8: memref<12800xf32, #tpu.memory_space<vmem>>, %arg9: memref<12800xf32, #tpu.memory_space<vmem>>, %arg10: memref<!tpu.dma_semaphore, #tpu.memory_space<semaphore_mem>>, %arg11: memref<!tpu.dma_semaphore, #tpu.memory_space<semaphore_mem>>) attributes {dimension_semantics = [#tpu.dimension_semantics<core_parallel>, #tpu.dimension_semantics<subcore_parallel>], iteration_bounds = array<i64: 2, 16>, scalar_prefetch = 0 : i64, scratch_operands = 7 : i64, tpu.core_type = #tpu.core_type<sc_vector_subcore>, window_params = [{transform_indices = #map}, {transform_indices = #map}, {transform_indices = #map}]} {
    %mul3A = arith.constant 2 : i32
    %mul3A_0 = arith.muli %arg1, %mul3A : i32
    %add3A = arith.addi %mul3A_0, %arg0 : i32
    %mul3A_1 = arith.constant 102400 : i32
    %mul3A_2 = arith.muli %add3A, %mul3A_1 : i32
    %scan3A = arith.constant 0 : i32
    %scan3A_3 = arith.constant 0 : i32
    %scan3A_4 = arith.constant 100 : i32
    %scan3A_5 = arith.addi %scan3A_3, %scan3A_4 : i32
    %scan3A_6 = arith.constant 1 : i32
    scf.for %scan3A_117 = %scan3A_3 to %scan3A_5 step %scan3A_6  : i32 {
      %rem3A = arith.constant 16 : i32
      %rem3A_118 = arith.remsi %scan3A_117, %rem3A : i32
      %eq3A = arith.cmpi eq, %rem3A_118, %arg1 : i32
      %convert_element_type3A = arith.extui %eq3A : i1 to i32
      %cond3A = arith.constant 0 : i32
      %cond3A_119 = arith.cmpi ne, %convert_element_type3A, %cond3A : i32
      scf.if %cond3A_119 {
        %mul3A_120 = arith.constant 10000 : i32
        %mul3A_121 = arith.muli %scan3A_117, %mul3A_120 : i32
        %multiple_of3A_122 = tpu.assume_multiple %mul3A_121, 8 : i32
        "tpu.region"() ({
          %run_scoped3A = tpu.sem_alloc : memref<!tpu.dma_semaphore, #tpu.memory_space<semaphore_mem>>
          %dma_start3A_123 = arith.constant 0 : i32
          %dma_start3A_124 = tpu.memref_slice %arg8[%dma_start3A_123] : memref<12800xf32, #tpu.memory_space<vmem>> -> memref<10000xf32, #tpu.memory_space<vmem>>
          %dma_start3A_125 = tpu.memref_slice %arg2[%multiple_of3A_122] : memref<1000000xf32, #tpu.memory_space<hbm>> -> memref<10000xf32, #tpu.memory_space<hbm>>
          %dma_start3A_126 = arith.constant 0 : i32
          %dma_start3A_127 = tpu.memref_slice %arg8[%dma_start3A_126] : memref<12800xf32, #tpu.memory_space<vmem>> -> memref<10000xf32, #tpu.memory_space<vmem>>
          %dma_start3A_128 = tpu.memref_slice %arg2[%multiple_of3A_122] : memref<1000000xf32, #tpu.memory_space<hbm>> -> memref<10000xf32, #tpu.memory_space<hbm>>
          tpu.enqueue_dma source(%dma_start3A_128 : memref<10000xf32, #tpu.memory_space<hbm>>) target(%dma_start3A_127 : memref<10000xf32, #tpu.memory_space<vmem>>) target_semaphore(%run_scoped3A : memref<!tpu.dma_semaphore, #tpu.memory_space<semaphore_mem>>)
          %dma_wait3A_129 = arith.constant 0 : i32
          %dma_wait3A_130 = tpu.memref_slice %arg8[%dma_wait3A_129] : memref<12800xf32, #tpu.memory_space<vmem>> -> memref<10000xf32, #tpu.memory_space<vmem>>
          %dma_wait3A_131 = tpu.memref_slice %arg2[%multiple_of3A_122] : memref<1000000xf32, #tpu.memory_space<hbm>> -> memref<10000xf32, #tpu.memory_space<hbm>>
          %dma_wait3A_132 = arith.constant 0 : i32
          %dma_wait3A_133 = tpu.memref_slice %arg8[%dma_wait3A_132] : memref<12800xf32, #tpu.memory_space<vmem>> -> memref<10000xf32, #tpu.memory_space<vmem>>
          %dma_wait3A_134 = tpu.memref_slice %arg2[%multiple_of3A_122] : memref<1000000xf32, #tpu.memory_space<hbm>> -> memref<10000xf32, #tpu.memory_space<hbm>>
          tpu.wait_dma2 semaphore(%run_scoped3A : memref<!tpu.dma_semaphore, #tpu.memory_space<semaphore_mem>>) src(%dma_wait3A_134 : memref<10000xf32, #tpu.memory_space<hbm>>) dst(%dma_wait3A_133 : memref<10000xf32, #tpu.memory_space<vmem>>)
          tpu.yield
        }) : () -> ()
        "tpu.region"() ({
          %run_scoped3A = tpu.sem_alloc : memref<!tpu.dma_semaphore, #tpu.memory_space<semaphore_mem>>
          %dma_start3A_123 = arith.constant 0 : i32
          %dma_start3A_124 = tpu.memref_slice %arg8[%dma_start3A_123] : memref<12800xf32, #tpu.memory_space<vmem>> -> memref<10000xf32, #tpu.memory_space<vmem>>
          %dma_start3A_125 = tpu.memref_slice %arg5[%multiple_of3A_122] : memref<1000000xf32, #tpu.memory_space<vmem_shared>> -> memref<10000xf32, #tpu.memory_space<vmem_shared>>
          %dma_start3A_126 = tpu.memref_slice %arg5[%multiple_of3A_122] : memref<1000000xf32, #tpu.memory_space<vmem_shared>> -> memref<10000xf32, #tpu.memory_space<vmem_shared>>
          %dma_start3A_127 = arith.constant 0 : i32
          %dma_start3A_128 = tpu.memref_slice %arg8[%dma_start3A_127] : memref<12800xf32, #tpu.memory_space<vmem>> -> memref<10000xf32, #tpu.memory_space<vmem>>
          tpu.enqueue_dma source(%dma_start3A_128 : memref<10000xf32, #tpu.memory_space<vmem>>) target(%dma_start3A_126 : memref<10000xf32, #tpu.memory_space<vmem_shared>>) target_semaphore(%run_scoped3A : memref<!tpu.dma_semaphore, #tpu.memory_space<semaphore_mem>>)
          %dma_wait3A_129 = arith.constant 0 : i32
          %dma_wait3A_130 = tpu.memref_slice %arg8[%dma_wait3A_129] : memref<12800xf32, #tpu.memory_space<vmem>> -> memref<10000xf32, #tpu.memory_space<vmem>>
          %dma_wait3A_131 = tpu.memref_slice %arg5[%multiple_of3A_122] : memref<1000000xf32, #tpu.memory_space<vmem_shared>> -> memref<10000xf32, #tpu.memory_space<vmem_shared>>
          %dma_wait3A_132 = tpu.memref_slice %arg5[%multiple_of3A_122] : memref<1000000xf32, #tpu.memory_space<vmem_shared>> -> memref<10000xf32, #tpu.memory_space<vmem_shared>>
          %dma_wait3A_133 = arith.constant 0 : i32
          %dma_wait3A_134 = tpu.memref_slice %arg8[%dma_wait3A_133] : memref<12800xf32, #tpu.memory_space<vmem>> -> memref<10000xf32, #tpu.memory_space<vmem>>
          tpu.wait_dma2 semaphore(%run_scoped3A : memref<!tpu.dma_semaphore, #tpu.memory_space<semaphore_mem>>) src(%dma_wait3A_134 : memref<10000xf32, #tpu.memory_space<vmem>>) dst(%dma_wait3A_132 : memref<10000xf32, #tpu.memory_space<vmem_shared>>)
          tpu.yield
        }) : () -> ()
      } else {
      }
    }
    %scan3A_7 = arith.constant 100 : i32
    %add3A_8 = arith.constant 0 : i32
    %add3A_9 = arith.addi %mul3A_2, %add3A_8 : i32
    %multiple_of3A = tpu.assume_multiple %add3A_9, 12800 : i32
    "tpu.region"() ({
      %run_scoped3A = tpu.sem_alloc : memref<!tpu.dma_semaphore, #tpu.memory_space<semaphore_mem>>
      %dma_start3A_117 = tpu.memref_slice %arg3[%multiple_of3A] : memref<3276800xi32, #tpu.memory_space<hbm>> -> memref<12800xi32, #tpu.memory_space<hbm>>
      %dma_start3A_118 = tpu.memref_slice %arg3[%multiple_of3A] : memref<3276800xi32, #tpu.memory_space<hbm>> -> memref<12800xi32, #tpu.memory_space<hbm>>
      tpu.enqueue_dma source(%dma_start3A_118 : memref<12800xi32, #tpu.memory_space<hbm>>) target(%arg6 : memref<12800xi32, #tpu.memory_space<vmem>>) target_semaphore(%run_scoped3A : memref<!tpu.dma_semaphore, #tpu.memory_space<semaphore_mem>>)
      %dma_wait3A_119 = tpu.memref_slice %arg3[%multiple_of3A] : memref<3276800xi32, #tpu.memory_space<hbm>> -> memref<12800xi32, #tpu.memory_space<hbm>>
      %dma_wait3A_120 = tpu.memref_slice %arg3[%multiple_of3A] : memref<3276800xi32, #tpu.memory_space<hbm>> -> memref<12800xi32, #tpu.memory_space<hbm>>
      tpu.wait_dma2 semaphore(%run_scoped3A : memref<!tpu.dma_semaphore, #tpu.memory_space<semaphore_mem>>) src(%dma_wait3A_120 : memref<12800xi32, #tpu.memory_space<hbm>>) dst(%arg6 : memref<12800xi32, #tpu.memory_space<vmem>>)
      tpu.yield
    }) : () -> ()
    %add3A_10 = arith.constant 12800 : i32
    %add3A_11 = arith.addi %mul3A_2, %add3A_10 : i32
    %multiple_of3A_12 = tpu.assume_multiple %add3A_11, 12800 : i32
    "tpu.region"() ({
      %run_scoped3A = tpu.sem_alloc : memref<!tpu.dma_semaphore, #tpu.memory_space<semaphore_mem>>
      %dma_start3A_117 = tpu.memref_slice %arg3[%multiple_of3A_12] : memref<3276800xi32, #tpu.memory_space<hbm>> -> memref<12800xi32, #tpu.memory_space<hbm>>
      %dma_start3A_118 = tpu.memref_slice %arg3[%multiple_of3A_12] : memref<3276800xi32, #tpu.memory_space<hbm>> -> memref<12800xi32, #tpu.memory_space<hbm>>
      tpu.enqueue_dma source(%dma_start3A_118 : memref<12800xi32, #tpu.memory_space<hbm>>) target(%arg7 : memref<12800xi32, #tpu.memory_space<vmem>>) target_semaphore(%run_scoped3A : memref<!tpu.dma_semaphore, #tpu.memory_space<semaphore_mem>>)
      %dma_wait3A_119 = tpu.memref_slice %arg3[%multiple_of3A_12] : memref<3276800xi32, #tpu.memory_space<hbm>> -> memref<12800xi32, #tpu.memory_space<hbm>>
      %dma_wait3A_120 = tpu.memref_slice %arg3[%multiple_of3A_12] : memref<3276800xi32, #tpu.memory_space<hbm>> -> memref<12800xi32, #tpu.memory_space<hbm>>
      tpu.wait_dma2 semaphore(%run_scoped3A : memref<!tpu.dma_semaphore, #tpu.memory_space<semaphore_mem>>) src(%dma_wait3A_120 : memref<12800xi32, #tpu.memory_space<hbm>>) dst(%arg7 : memref<12800xi32, #tpu.memory_space<vmem>>)
      tpu.yield
    }) : () -> ()
    %barrier3A = arith.constant 0 : index
    tpu.barrier barrier_id(%barrier3A)
    %dma_start3A = arith.constant 0 : i32
    %dma_start3A_13 = tpu.memref_slice %arg5[%dma_start3A] : memref<1000000xf32, #tpu.memory_space<vmem_shared>> -> memref<1000000xf32, #tpu.memory_space<vmem_shared>>
    tpu.enqueue_indirect_dma source(%dma_start3A_13 : memref<1000000xf32, #tpu.memory_space<vmem_shared>>) target(%arg8 : memref<12800xf32, #tpu.memory_space<vmem>>) offsets(%arg6 : memref<12800xi32, #tpu.memory_space<vmem>>) semaphore(%arg10 : memref<!tpu.dma_semaphore, #tpu.memory_space<semaphore_mem>>)
    %dma_start3A_14 = arith.constant 0 : i32
    %dma_start3A_15 = tpu.memref_slice %arg5[%dma_start3A_14] : memref<1000000xf32, #tpu.memory_space<vmem_shared>> -> memref<1000000xf32, #tpu.memory_space<vmem_shared>>
    tpu.enqueue_indirect_dma source(%dma_start3A_15 : memref<1000000xf32, #tpu.memory_space<vmem_shared>>) target(%arg9 : memref<12800xf32, #tpu.memory_space<vmem>>) offsets(%arg7 : memref<12800xi32, #tpu.memory_space<vmem>>) semaphore(%arg10 : memref<!tpu.dma_semaphore, #tpu.memory_space<semaphore_mem>>)
    %dma_wait3A = arith.constant 0 : i32
    %dma_wait3A_16 = tpu.memref_slice %arg5[%dma_wait3A] : memref<1000000xf32, #tpu.memory_space<vmem_shared>> -> memref<1000000xf32, #tpu.memory_space<vmem_shared>>
    tpu.wait_indirect_dma semaphore(%arg10 : memref<!tpu.dma_semaphore, #tpu.memory_space<semaphore_mem>>) src(%dma_wait3A_16 : memref<1000000xf32, #tpu.memory_space<vmem_shared>>) dst(%arg8 : memref<12800xf32, #tpu.memory_space<vmem>>)
    %add3A_17 = arith.constant 0 : i32
    %add3A_18 = arith.addi %mul3A_2, %add3A_17 : i32
    %multiple_of3A_19 = tpu.assume_multiple %add3A_18, 12800 : i32
    %dma_start3A_20 = tpu.memref_slice %arg4[%multiple_of3A_19] : memref<3276800xf32, #tpu.memory_space<hbm>> -> memref<12800xf32, #tpu.memory_space<hbm>>
    %dma_start3A_21 = tpu.memref_slice %arg4[%multiple_of3A_19] : memref<3276800xf32, #tpu.memory_space<hbm>> -> memref<12800xf32, #tpu.memory_space<hbm>>
    tpu.enqueue_dma source(%arg8 : memref<12800xf32, #tpu.memory_space<vmem>>) target(%dma_start3A_21 : memref<12800xf32, #tpu.memory_space<hbm>>) target_semaphore(%arg11 : memref<!tpu.dma_semaphore, #tpu.memory_space<semaphore_mem>>)
    %add3A_22 = arith.constant 25600 : i32
    %add3A_23 = arith.addi %mul3A_2, %add3A_22 : i32
    %multiple_of3A_24 = tpu.assume_multiple %add3A_23, 12800 : i32
    "tpu.region"() ({
      %run_scoped3A = tpu.sem_alloc : memref<!tpu.dma_semaphore, #tpu.memory_space<semaphore_mem>>
      %dma_start3A_117 = tpu.memref_slice %arg3[%multiple_of3A_24] : memref<3276800xi32, #tpu.memory_space<hbm>> -> memref<12800xi32, #tpu.memory_space<hbm>>
      %dma_start3A_118 = tpu.memref_slice %arg3[%multiple_of3A_24] : memref<3276800xi32, #tpu.memory_space<hbm>> -> memref<12800xi32, #tpu.memory_space<hbm>>
      tpu.enqueue_dma source(%dma_start3A_118 : memref<12800xi32, #tpu.memory_space<hbm>>) target(%arg6 : memref<12800xi32, #tpu.memory_space<vmem>>) target_semaphore(%run_scoped3A : memref<!tpu.dma_semaphore, #tpu.memory_space<semaphore_mem>>)
      %dma_wait3A_119 = tpu.memref_slice %arg3[%multiple_of3A_24] : memref<3276800xi32, #tpu.memory_space<hbm>> -> memref<12800xi32, #tpu.memory_space<hbm>>
      %dma_wait3A_120 = tpu.memref_slice %arg3[%multiple_of3A_24] : memref<3276800xi32, #tpu.memory_space<hbm>> -> memref<12800xi32, #tpu.memory_space<hbm>>
      tpu.wait_dma2 semaphore(%run_scoped3A : memref<!tpu.dma_semaphore, #tpu.memory_space<semaphore_mem>>) src(%dma_wait3A_120 : memref<12800xi32, #tpu.memory_space<hbm>>) dst(%arg6 : memref<12800xi32, #tpu.memory_space<vmem>>)
      tpu.yield
    }) : () -> ()
    %dma_wait3A_25 = tpu.memref_slice %arg4[%multiple_of3A_19] : memref<3276800xf32, #tpu.memory_space<hbm>> -> memref<12800xf32, #tpu.memory_space<hbm>>
    %dma_wait3A_26 = tpu.memref_slice %arg4[%multiple_of3A_19] : memref<3276800xf32, #tpu.memory_space<hbm>> -> memref<12800xf32, #tpu.memory_space<hbm>>
    tpu.wait_dma2 semaphore(%arg11 : memref<!tpu.dma_semaphore, #tpu.memory_space<semaphore_mem>>) src(%arg8 : memref<12800xf32, #tpu.memory_space<vmem>>) dst(%dma_wait3A_26 : memref<12800xf32, #tpu.memory_space<hbm>>)
    %dma_start3A_27 = arith.constant 0 : i32
    %dma_start3A_28 = tpu.memref_slice %arg5[%dma_start3A_27] : memref<1000000xf32, #tpu.memory_space<vmem_shared>> -> memref<1000000xf32, #tpu.memory_space<vmem_shared>>
    tpu.enqueue_indirect_dma source(%dma_start3A_28 : memref<1000000xf32, #tpu.memory_space<vmem_shared>>) target(%arg8 : memref<12800xf32, #tpu.memory_space<vmem>>) offsets(%arg6 : memref<12800xi32, #tpu.memory_space<vmem>>) semaphore(%arg10 : memref<!tpu.dma_semaphore, #tpu.memory_space<semaphore_mem>>)
    %dma_wait3A_29 = arith.constant 0 : i32
    %dma_wait3A_30 = tpu.memref_slice %arg5[%dma_wait3A_29] : memref<1000000xf32, #tpu.memory_space<vmem_shared>> -> memref<1000000xf32, #tpu.memory_space<vmem_shared>>
    tpu.wait_indirect_dma semaphore(%arg10 : memref<!tpu.dma_semaphore, #tpu.memory_space<semaphore_mem>>) src(%dma_wait3A_30 : memref<1000000xf32, #tpu.memory_space<vmem_shared>>) dst(%arg9 : memref<12800xf32, #tpu.memory_space<vmem>>)
    %add3A_31 = arith.constant 12800 : i32
    %add3A_32 = arith.addi %mul3A_2, %add3A_31 : i32
    %multiple_of3A_33 = tpu.assume_multiple %add3A_32, 12800 : i32
    %dma_start3A_34 = tpu.memref_slice %arg4[%multiple_of3A_33] : memref<3276800xf32, #tpu.memory_space<hbm>> -> memref<12800xf32, #tpu.memory_space<hbm>>
    %dma_start3A_35 = tpu.memref_slice %arg4[%multiple_of3A_33] : memref<3276800xf32, #tpu.memory_space<hbm>> -> memref<12800xf32, #tpu.memory_space<hbm>>
    tpu.enqueue_dma source(%arg9 : memref<12800xf32, #tpu.memory_space<vmem>>) target(%dma_start3A_35 : memref<12800xf32, #tpu.memory_space<hbm>>) target_semaphore(%arg11 : memref<!tpu.dma_semaphore, #tpu.memory_space<semaphore_mem>>)
    %add3A_36 = arith.constant 38400 : i32
    %add3A_37 = arith.addi %mul3A_2, %add3A_36 : i32
    %multiple_of3A_38 = tpu.assume_multiple %add3A_37, 12800 : i32
    "tpu.region"() ({
      %run_scoped3A = tpu.sem_alloc : memref<!tpu.dma_semaphore, #tpu.memory_space<semaphore_mem>>
      %dma_start3A_117 = tpu.memref_slice %arg3[%multiple_of3A_38] : memref<3276800xi32, #tpu.memory_space<hbm>> -> memref<12800xi32, #tpu.memory_space<hbm>>
      %dma_start3A_118 = tpu.memref_slice %arg3[%multiple_of3A_38] : memref<3276800xi32, #tpu.memory_space<hbm>> -> memref<12800xi32, #tpu.memory_space<hbm>>
      tpu.enqueue_dma source(%dma_start3A_118 : memref<12800xi32, #tpu.memory_space<hbm>>) target(%arg7 : memref<12800xi32, #tpu.memory_space<vmem>>) target_semaphore(%run_scoped3A : memref<!tpu.dma_semaphore, #tpu.memory_space<semaphore_mem>>)
      %dma_wait3A_119 = tpu.memref_slice %arg3[%multiple_of3A_38] : memref<3276800xi32, #tpu.memory_space<hbm>> -> memref<12800xi32, #tpu.memory_space<hbm>>
      %dma_wait3A_120 = tpu.memref_slice %arg3[%multiple_of3A_38] : memref<3276800xi32, #tpu.memory_space<hbm>> -> memref<12800xi32, #tpu.memory_space<hbm>>
      tpu.wait_dma2 semaphore(%run_scoped3A : memref<!tpu.dma_semaphore, #tpu.memory_space<semaphore_mem>>) src(%dma_wait3A_120 : memref<12800xi32, #tpu.memory_space<hbm>>) dst(%arg7 : memref<12800xi32, #tpu.memory_space<vmem>>)
      tpu.yield
    }) : () -> ()
    %dma_wait3A_39 = tpu.memref_slice %arg4[%multiple_of3A_33] : memref<3276800xf32, #tpu.memory_space<hbm>> -> memref<12800xf32, #tpu.memory_space<hbm>>
    %dma_wait3A_40 = tpu.memref_slice %arg4[%multiple_of3A_33] : memref<3276800xf32, #tpu.memory_space<hbm>> -> memref<12800xf32, #tpu.memory_space<hbm>>
    tpu.wait_dma2 semaphore(%arg11 : memref<!tpu.dma_semaphore, #tpu.memory_space<semaphore_mem>>) src(%arg9 : memref<12800xf32, #tpu.memory_space<vmem>>) dst(%dma_wait3A_40 : memref<12800xf32, #tpu.memory_space<hbm>>)
    %dma_start3A_41 = arith.constant 0 : i32
    %dma_start3A_42 = tpu.memref_slice %arg5[%dma_start3A_41] : memref<1000000xf32, #tpu.memory_space<vmem_shared>> -> memref<1000000xf32, #tpu.memory_space<vmem_shared>>
    tpu.enqueue_indirect_dma source(%dma_start3A_42 : memref<1000000xf32, #tpu.memory_space<vmem_shared>>) target(%arg9 : memref<12800xf32, #tpu.memory_space<vmem>>) offsets(%arg7 : memref<12800xi32, #tpu.memory_space<vmem>>) semaphore(%arg10 : memref<!tpu.dma_semaphore, #tpu.memory_space<semaphore_mem>>)
    %dma_wait3A_43 = arith.constant 0 : i32
    %dma_wait3A_44 = tpu.memref_slice %arg5[%dma_wait3A_43] : memref<1000000xf32, #tpu.memory_space<vmem_shared>> -> memref<1000000xf32, #tpu.memory_space<vmem_shared>>
    tpu.wait_indirect_dma semaphore(%arg10 : memref<!tpu.dma_semaphore, #tpu.memory_space<semaphore_mem>>) src(%dma_wait3A_44 : memref<1000000xf32, #tpu.memory_space<vmem_shared>>) dst(%arg8 : memref<12800xf32, #tpu.memory_space<vmem>>)
    %add3A_45 = arith.constant 25600 : i32
    %add3A_46 = arith.addi %mul3A_2, %add3A_45 : i32
    %multiple_of3A_47 = tpu.assume_multiple %add3A_46, 12800 : i32
    %dma_start3A_48 = tpu.memref_slice %arg4[%multiple_of3A_47] : memref<3276800xf32, #tpu.memory_space<hbm>> -> memref<12800xf32, #tpu.memory_space<hbm>>
    %dma_start3A_49 = tpu.memref_slice %arg4[%multiple_of3A_47] : memref<3276800xf32, #tpu.memory_space<hbm>> -> memref<12800xf32, #tpu.memory_space<hbm>>
    tpu.enqueue_dma source(%arg8 : memref<12800xf32, #tpu.memory_space<vmem>>) target(%dma_start3A_49 : memref<12800xf32, #tpu.memory_space<hbm>>) target_semaphore(%arg11 : memref<!tpu.dma_semaphore, #tpu.memory_space<semaphore_mem>>)
    %add3A_50 = arith.constant 51200 : i32
    %add3A_51 = arith.addi %mul3A_2, %add3A_50 : i32
    %multiple_of3A_52 = tpu.assume_multiple %add3A_51, 12800 : i32
    "tpu.region"() ({
      %run_scoped3A = tpu.sem_alloc : memref<!tpu.dma_semaphore, #tpu.memory_space<semaphore_mem>>
      %dma_start3A_117 = tpu.memref_slice %arg3[%multiple_of3A_52] : memref<3276800xi32, #tpu.memory_space<hbm>> -> memref<12800xi32, #tpu.memory_space<hbm>>
      %dma_start3A_118 = tpu.memref_slice %arg3[%multiple_of3A_52] : memref<3276800xi32, #tpu.memory_space<hbm>> -> memref<12800xi32, #tpu.memory_space<hbm>>
      tpu.enqueue_dma source(%dma_start3A_118 : memref<12800xi32, #tpu.memory_space<hbm>>) target(%arg6 : memref<12800xi32, #tpu.memory_space<vmem>>) target_semaphore(%run_scoped3A : memref<!tpu.dma_semaphore, #tpu.memory_space<semaphore_mem>>)
      %dma_wait3A_119 = tpu.memref_slice %arg3[%multiple_of3A_52] : memref<3276800xi32, #tpu.memory_space<hbm>> -> memref<12800xi32, #tpu.memory_space<hbm>>
      %dma_wait3A_120 = tpu.memref_slice %arg3[%multiple_of3A_52] : memref<3276800xi32, #tpu.memory_space<hbm>> -> memref<12800xi32, #tpu.memory_space<hbm>>
      tpu.wait_dma2 semaphore(%run_scoped3A : memref<!tpu.dma_semaphore, #tpu.memory_space<semaphore_mem>>) src(%dma_wait3A_120 : memref<12800xi32, #tpu.memory_space<hbm>>) dst(%arg6 : memref<12800xi32, #tpu.memory_space<vmem>>)
      tpu.yield
    }) : () -> ()
    %dma_wait3A_53 = tpu.memref_slice %arg4[%multiple_of3A_47] : memref<3276800xf32, #tpu.memory_space<hbm>> -> memref<12800xf32, #tpu.memory_space<hbm>>
    %dma_wait3A_54 = tpu.memref_slice %arg4[%multiple_of3A_47] : memref<3276800xf32, #tpu.memory_space<hbm>> -> memref<12800xf32, #tpu.memory_space<hbm>>
    tpu.wait_dma2 semaphore(%arg11 : memref<!tpu.dma_semaphore, #tpu.memory_space<semaphore_mem>>) src(%arg8 : memref<12800xf32, #tpu.memory_space<vmem>>) dst(%dma_wait3A_54 : memref<12800xf32, #tpu.memory_space<hbm>>)
    %dma_start3A_55 = arith.constant 0 : i32
    %dma_start3A_56 = tpu.memref_slice %arg5[%dma_start3A_55] : memref<1000000xf32, #tpu.memory_space<vmem_shared>> -> memref<1000000xf32, #tpu.memory_space<vmem_shared>>
    tpu.enqueue_indirect_dma source(%dma_start3A_56 : memref<1000000xf32, #tpu.memory_space<vmem_shared>>) target(%arg8 : memref<12800xf32, #tpu.memory_space<vmem>>) offsets(%arg6 : memref<12800xi32, #tpu.memory_space<vmem>>) semaphore(%arg10 : memref<!tpu.dma_semaphore, #tpu.memory_space<semaphore_mem>>)
    %dma_wait3A_57 = arith.constant 0 : i32
    %dma_wait3A_58 = tpu.memref_slice %arg5[%dma_wait3A_57] : memref<1000000xf32, #tpu.memory_space<vmem_shared>> -> memref<1000000xf32, #tpu.memory_space<vmem_shared>>
    tpu.wait_indirect_dma semaphore(%arg10 : memref<!tpu.dma_semaphore, #tpu.memory_space<semaphore_mem>>) src(%dma_wait3A_58 : memref<1000000xf32, #tpu.memory_space<vmem_shared>>) dst(%arg9 : memref<12800xf32, #tpu.memory_space<vmem>>)
    %add3A_59 = arith.constant 38400 : i32
    %add3A_60 = arith.addi %mul3A_2, %add3A_59 : i32
    %multiple_of3A_61 = tpu.assume_multiple %add3A_60, 12800 : i32
    %dma_start3A_62 = tpu.memref_slice %arg4[%multiple_of3A_61] : memref<3276800xf32, #tpu.memory_space<hbm>> -> memref<12800xf32, #tpu.memory_space<hbm>>
    %dma_start3A_63 = tpu.memref_slice %arg4[%multiple_of3A_61] : memref<3276800xf32, #tpu.memory_space<hbm>> -> memref<12800xf32, #tpu.memory_space<hbm>>
    tpu.enqueue_dma source(%arg9 : memref<12800xf32, #tpu.memory_space<vmem>>) target(%dma_start3A_63 : memref<12800xf32, #tpu.memory_space<hbm>>) target_semaphore(%arg11 : memref<!tpu.dma_semaphore, #tpu.memory_space<semaphore_mem>>)
    %add3A_64 = arith.constant 64000 : i32
    %add3A_65 = arith.addi %mul3A_2, %add3A_64 : i32
    %multiple_of3A_66 = tpu.assume_multiple %add3A_65, 12800 : i32
    "tpu.region"() ({
      %run_scoped3A = tpu.sem_alloc : memref<!tpu.dma_semaphore, #tpu.memory_space<semaphore_mem>>
      %dma_start3A_117 = tpu.memref_slice %arg3[%multiple_of3A_66] : memref<3276800xi32, #tpu.memory_space<hbm>> -> memref<12800xi32, #tpu.memory_space<hbm>>
      %dma_start3A_118 = tpu.memref_slice %arg3[%multiple_of3A_66] : memref<3276800xi32, #tpu.memory_space<hbm>> -> memref<12800xi32, #tpu.memory_space<hbm>>
      tpu.enqueue_dma source(%dma_start3A_118 : memref<12800xi32, #tpu.memory_space<hbm>>) target(%arg7 : memref<12800xi32, #tpu.memory_space<vmem>>) target_semaphore(%run_scoped3A : memref<!tpu.dma_semaphore, #tpu.memory_space<semaphore_mem>>)
      %dma_wait3A_119 = tpu.memref_slice %arg3[%multiple_of3A_66] : memref<3276800xi32, #tpu.memory_space<hbm>> -> memref<12800xi32, #tpu.memory_space<hbm>>
      %dma_wait3A_120 = tpu.memref_slice %arg3[%multiple_of3A_66] : memref<3276800xi32, #tpu.memory_space<hbm>> -> memref<12800xi32, #tpu.memory_space<hbm>>
      tpu.wait_dma2 semaphore(%run_scoped3A : memref<!tpu.dma_semaphore, #tpu.memory_space<semaphore_mem>>) src(%dma_wait3A_120 : memref<12800xi32, #tpu.memory_space<hbm>>) dst(%arg7 : memref<12800xi32, #tpu.memory_space<vmem>>)
      tpu.yield
    }) : () -> ()
    %dma_wait3A_67 = tpu.memref_slice %arg4[%multiple_of3A_61] : memref<3276800xf32, #tpu.memory_space<hbm>> -> memref<12800xf32, #tpu.memory_space<hbm>>
    %dma_wait3A_68 = tpu.memref_slice %arg4[%multiple_of3A_61] : memref<3276800xf32, #tpu.memory_space<hbm>> -> memref<12800xf32, #tpu.memory_space<hbm>>
    tpu.wait_dma2 semaphore(%arg11 : memref<!tpu.dma_semaphore, #tpu.memory_space<semaphore_mem>>) src(%arg9 : memref<12800xf32, #tpu.memory_space<vmem>>) dst(%dma_wait3A_68 : memref<12800xf32, #tpu.memory_space<hbm>>)
    %dma_start3A_69 = arith.constant 0 : i32
    %dma_start3A_70 = tpu.memref_slice %arg5[%dma_start3A_69] : memref<1000000xf32, #tpu.memory_space<vmem_shared>> -> memref<1000000xf32, #tpu.memory_space<vmem_shared>>
    tpu.enqueue_indirect_dma source(%dma_start3A_70 : memref<1000000xf32, #tpu.memory_space<vmem_shared>>) target(%arg9 : memref<12800xf32, #tpu.memory_space<vmem>>) offsets(%arg7 : memref<12800xi32, #tpu.memory_space<vmem>>) semaphore(%arg10 : memref<!tpu.dma_semaphore, #tpu.memory_space<semaphore_mem>>)
    %dma_wait3A_71 = arith.constant 0 : i32
    %dma_wait3A_72 = tpu.memref_slice %arg5[%dma_wait3A_71] : memref<1000000xf32, #tpu.memory_space<vmem_shared>> -> memref<1000000xf32, #tpu.memory_space<vmem_shared>>
    tpu.wait_indirect_dma semaphore(%arg10 : memref<!tpu.dma_semaphore, #tpu.memory_space<semaphore_mem>>) src(%dma_wait3A_72 : memref<1000000xf32, #tpu.memory_space<vmem_shared>>) dst(%arg8 : memref<12800xf32, #tpu.memory_space<vmem>>)
    %add3A_73 = arith.constant 51200 : i32
    %add3A_74 = arith.addi %mul3A_2, %add3A_73 : i32
    %multiple_of3A_75 = tpu.assume_multiple %add3A_74, 12800 : i32
    %dma_start3A_76 = tpu.memref_slice %arg4[%multiple_of3A_75] : memref<3276800xf32, #tpu.memory_space<hbm>> -> memref<12800xf32, #tpu.memory_space<hbm>>
    %dma_start3A_77 = tpu.memref_slice %arg4[%multiple_of3A_75] : memref<3276800xf32, #tpu.memory_space<hbm>> -> memref<12800xf32, #tpu.memory_space<hbm>>
    tpu.enqueue_dma source(%arg8 : memref<12800xf32, #tpu.memory_space<vmem>>) target(%dma_start3A_77 : memref<12800xf32, #tpu.memory_space<hbm>>) target_semaphore(%arg11 : memref<!tpu.dma_semaphore, #tpu.memory_space<semaphore_mem>>)
    %add3A_78 = arith.constant 76800 : i32
    %add3A_79 = arith.addi %mul3A_2, %add3A_78 : i32
    %multiple_of3A_80 = tpu.assume_multiple %add3A_79, 12800 : i32
    "tpu.region"() ({
      %run_scoped3A = tpu.sem_alloc : memref<!tpu.dma_semaphore, #tpu.memory_space<semaphore_mem>>
      %dma_start3A_117 = tpu.memref_slice %arg3[%multiple_of3A_80] : memref<3276800xi32, #tpu.memory_space<hbm>> -> memref<12800xi32, #tpu.memory_space<hbm>>
      %dma_start3A_118 = tpu.memref_slice %arg3[%multiple_of3A_80] : memref<3276800xi32, #tpu.memory_space<hbm>> -> memref<12800xi32, #tpu.memory_space<hbm>>
      tpu.enqueue_dma source(%dma_start3A_118 : memref<12800xi32, #tpu.memory_space<hbm>>) target(%arg6 : memref<12800xi32, #tpu.memory_space<vmem>>) target_semaphore(%run_scoped3A : memref<!tpu.dma_semaphore, #tpu.memory_space<semaphore_mem>>)
      %dma_wait3A_119 = tpu.memref_slice %arg3[%multiple_of3A_80] : memref<3276800xi32, #tpu.memory_space<hbm>> -> memref<12800xi32, #tpu.memory_space<hbm>>
      %dma_wait3A_120 = tpu.memref_slice %arg3[%multiple_of3A_80] : memref<3276800xi32, #tpu.memory_space<hbm>> -> memref<12800xi32, #tpu.memory_space<hbm>>
      tpu.wait_dma2 semaphore(%run_scoped3A : memref<!tpu.dma_semaphore, #tpu.memory_space<semaphore_mem>>) src(%dma_wait3A_120 : memref<12800xi32, #tpu.memory_space<hbm>>) dst(%arg6 : memref<12800xi32, #tpu.memory_space<vmem>>)
      tpu.yield
    }) : () -> ()
    %dma_wait3A_81 = tpu.memref_slice %arg4[%multiple_of3A_75] : memref<3276800xf32, #tpu.memory_space<hbm>> -> memref<12800xf32, #tpu.memory_space<hbm>>
    %dma_wait3A_82 = tpu.memref_slice %arg4[%multiple_of3A_75] : memref<3276800xf32, #tpu.memory_space<hbm>> -> memref<12800xf32, #tpu.memory_space<hbm>>
    tpu.wait_dma2 semaphore(%arg11 : memref<!tpu.dma_semaphore, #tpu.memory_space<semaphore_mem>>) src(%arg8 : memref<12800xf32, #tpu.memory_space<vmem>>) dst(%dma_wait3A_82 : memref<12800xf32, #tpu.memory_space<hbm>>)
    %dma_start3A_83 = arith.constant 0 : i32
    %dma_start3A_84 = tpu.memref_slice %arg5[%dma_start3A_83] : memref<1000000xf32, #tpu.memory_space<vmem_shared>> -> memref<1000000xf32, #tpu.memory_space<vmem_shared>>
    tpu.enqueue_indirect_dma source(%dma_start3A_84 : memref<1000000xf32, #tpu.memory_space<vmem_shared>>) target(%arg8 : memref<12800xf32, #tpu.memory_space<vmem>>) offsets(%arg6 : memref<12800xi32, #tpu.memory_space<vmem>>) semaphore(%arg10 : memref<!tpu.dma_semaphore, #tpu.memory_space<semaphore_mem>>)
    %dma_wait3A_85 = arith.constant 0 : i32
    %dma_wait3A_86 = tpu.memref_slice %arg5[%dma_wait3A_85] : memref<1000000xf32, #tpu.memory_space<vmem_shared>> -> memref<1000000xf32, #tpu.memory_space<vmem_shared>>
    tpu.wait_indirect_dma semaphore(%arg10 : memref<!tpu.dma_semaphore, #tpu.memory_space<semaphore_mem>>) src(%dma_wait3A_86 : memref<1000000xf32, #tpu.memory_space<vmem_shared>>) dst(%arg9 : memref<12800xf32, #tpu.memory_space<vmem>>)
    %add3A_87 = arith.constant 64000 : i32
    %add3A_88 = arith.addi %mul3A_2, %add3A_87 : i32
    %multiple_of3A_89 = tpu.assume_multiple %add3A_88, 12800 : i32
    %dma_start3A_90 = tpu.memref_slice %arg4[%multiple_of3A_89] : memref<3276800xf32, #tpu.memory_space<hbm>> -> memref<12800xf32, #tpu.memory_space<hbm>>
    %dma_start3A_91 = tpu.memref_slice %arg4[%multiple_of3A_89] : memref<3276800xf32, #tpu.memory_space<hbm>> -> memref<12800xf32, #tpu.memory_space<hbm>>
    tpu.enqueue_dma source(%arg9 : memref<12800xf32, #tpu.memory_space<vmem>>) target(%dma_start3A_91 : memref<12800xf32, #tpu.memory_space<hbm>>) target_semaphore(%arg11 : memref<!tpu.dma_semaphore, #tpu.memory_space<semaphore_mem>>)
    %add3A_92 = arith.constant 89600 : i32
    %add3A_93 = arith.addi %mul3A_2, %add3A_92 : i32
    %multiple_of3A_94 = tpu.assume_multiple %add3A_93, 12800 : i32
    "tpu.region"() ({
      %run_scoped3A = tpu.sem_alloc : memref<!tpu.dma_semaphore, #tpu.memory_space<semaphore_mem>>
      %dma_start3A_117 = tpu.memref_slice %arg3[%multiple_of3A_94] : memref<3276800xi32, #tpu.memory_space<hbm>> -> memref<12800xi32, #tpu.memory_space<hbm>>
      %dma_start3A_118 = tpu.memref_slice %arg3[%multiple_of3A_94] : memref<3276800xi32, #tpu.memory_space<hbm>> -> memref<12800xi32, #tpu.memory_space<hbm>>
      tpu.enqueue_dma source(%dma_start3A_118 : memref<12800xi32, #tpu.memory_space<hbm>>) target(%arg7 : memref<12800xi32, #tpu.memory_space<vmem>>) target_semaphore(%run_scoped3A : memref<!tpu.dma_semaphore, #tpu.memory_space<semaphore_mem>>)
      %dma_wait3A_119 = tpu.memref_slice %arg3[%multiple_of3A_94] : memref<3276800xi32, #tpu.memory_space<hbm>> -> memref<12800xi32, #tpu.memory_space<hbm>>
      %dma_wait3A_120 = tpu.memref_slice %arg3[%multiple_of3A_94] : memref<3276800xi32, #tpu.memory_space<hbm>> -> memref<12800xi32, #tpu.memory_space<hbm>>
      tpu.wait_dma2 semaphore(%run_scoped3A : memref<!tpu.dma_semaphore, #tpu.memory_space<semaphore_mem>>) src(%dma_wait3A_120 : memref<12800xi32, #tpu.memory_space<hbm>>) dst(%arg7 : memref<12800xi32, #tpu.memory_space<vmem>>)
      tpu.yield
    }) : () -> ()
    %dma_wait3A_95 = tpu.memref_slice %arg4[%multiple_of3A_89] : memref<3276800xf32, #tpu.memory_space<hbm>> -> memref<12800xf32, #tpu.memory_space<hbm>>
    %dma_wait3A_96 = tpu.memref_slice %arg4[%multiple_of3A_89] : memref<3276800xf32, #tpu.memory_space<hbm>> -> memref<12800xf32, #tpu.memory_space<hbm>>
    tpu.wait_dma2 semaphore(%arg11 : memref<!tpu.dma_semaphore, #tpu.memory_space<semaphore_mem>>) src(%arg9 : memref<12800xf32, #tpu.memory_space<vmem>>) dst(%dma_wait3A_96 : memref<12800xf32, #tpu.memory_space<hbm>>)
    %dma_start3A_97 = arith.constant 0 : i32
    %dma_start3A_98 = tpu.memref_slice %arg5[%dma_start3A_97] : memref<1000000xf32, #tpu.memory_space<vmem_shared>> -> memref<1000000xf32, #tpu.memory_space<vmem_shared>>
    tpu.enqueue_indirect_dma source(%dma_start3A_98 : memref<1000000xf32, #tpu.memory_space<vmem_shared>>) target(%arg9 : memref<12800xf32, #tpu.memory_space<vmem>>) offsets(%arg7 : memref<12800xi32, #tpu.memory_space<vmem>>) semaphore(%arg10 : memref<!tpu.dma_semaphore, #tpu.memory_space<semaphore_mem>>)
    %dma_wait3A_99 = arith.constant 0 : i32
    %dma_wait3A_100 = tpu.memref_slice %arg5[%dma_wait3A_99] : memref<1000000xf32, #tpu.memory_space<vmem_shared>> -> memref<1000000xf32, #tpu.memory_space<vmem_shared>>
    tpu.wait_indirect_dma semaphore(%arg10 : memref<!tpu.dma_semaphore, #tpu.memory_space<semaphore_mem>>) src(%dma_wait3A_100 : memref<1000000xf32, #tpu.memory_space<vmem_shared>>) dst(%arg8 : memref<12800xf32, #tpu.memory_space<vmem>>)
    %add3A_101 = arith.constant 76800 : i32
    %add3A_102 = arith.addi %mul3A_2, %add3A_101 : i32
    %multiple_of3A_103 = tpu.assume_multiple %add3A_102, 12800 : i32
    %dma_start3A_104 = tpu.memref_slice %arg4[%multiple_of3A_103] : memref<3276800xf32, #tpu.memory_space<hbm>> -> memref<12800xf32, #tpu.memory_space<hbm>>
    %dma_start3A_105 = tpu.memref_slice %arg4[%multiple_of3A_103] : memref<3276800xf32, #tpu.memory_space<hbm>> -> memref<12800xf32, #tpu.memory_space<hbm>>
    tpu.enqueue_dma source(%arg8 : memref<12800xf32, #tpu.memory_space<vmem>>) target(%dma_start3A_105 : memref<12800xf32, #tpu.memory_space<hbm>>) target_semaphore(%arg11 : memref<!tpu.dma_semaphore, #tpu.memory_space<semaphore_mem>>)
    %dma_wait3A_106 = tpu.memref_slice %arg4[%multiple_of3A_103] : memref<3276800xf32, #tpu.memory_space<hbm>> -> memref<12800xf32, #tpu.memory_space<hbm>>
    %dma_wait3A_107 = tpu.memref_slice %arg4[%multiple_of3A_103] : memref<3276800xf32, #tpu.memory_space<hbm>> -> memref<12800xf32, #tpu.memory_space<hbm>>
    tpu.wait_dma2 semaphore(%arg11 : memref<!tpu.dma_semaphore, #tpu.memory_space<semaphore_mem>>) src(%arg8 : memref<12800xf32, #tpu.memory_space<vmem>>) dst(%dma_wait3A_107 : memref<12800xf32, #tpu.memory_space<hbm>>)
    %dma_wait3A_108 = arith.constant 0 : i32
    %dma_wait3A_109 = tpu.memref_slice %arg5[%dma_wait3A_108] : memref<1000000xf32, #tpu.memory_space<vmem_shared>> -> memref<1000000xf32, #tpu.memory_space<vmem_shared>>
    tpu.wait_indirect_dma semaphore(%arg10 : memref<!tpu.dma_semaphore, #tpu.memory_space<semaphore_mem>>) src(%dma_wait3A_109 : memref<1000000xf32, #tpu.memory_space<vmem_shared>>) dst(%arg9 : memref<12800xf32, #tpu.memory_space<vmem>>)
    %add3A_110 = arith.constant 89600 : i32
    %add3A_111 = arith.addi %mul3A_2, %add3A_110 : i32
    %multiple_of3A_112 = tpu.assume_multiple %add3A_111, 12800 : i32
    %dma_start3A_113 = tpu.memref_slice %arg4[%multiple_of3A_112] : memref<3276800xf32, #tpu.memory_space<hbm>> -> memref<12800xf32, #tpu.memory_space<hbm>>
    %dma_start3A_114 = tpu.memref_slice %arg4[%multiple_of3A_112] : memref<3276800xf32, #tpu.memory_space<hbm>> -> memref<12800xf32, #tpu.memory_space<hbm>>
    tpu.enqueue_dma source(%arg9 : memref<12800xf32, #tpu.memory_space<vmem>>) target(%dma_start3A_114 : memref<12800xf32, #tpu.memory_space<hbm>>) target_semaphore(%arg11 : memref<!tpu.dma_semaphore, #tpu.memory_space<semaphore_mem>>)
    %dma_wait3A_115 = tpu.memref_slice %arg4[%multiple_of3A_112] : memref<3276800xf32, #tpu.memory_space<hbm>> -> memref<12800xf32, #tpu.memory_space<hbm>>
    %dma_wait3A_116 = tpu.memref_slice %arg4[%multiple_of3A_112] : memref<3276800xf32, #tpu.memory_space<hbm>> -> memref<12800xf32, #tpu.memory_space<hbm>>
    tpu.wait_dma2 semaphore(%arg11 : memref<!tpu.dma_semaphore, #tpu.memory_space<semaphore_mem>>) src(%arg9 : memref<12800xf32, #tpu.memory_space<vmem>>) dst(%dma_wait3A_116 : memref<12800xf32, #tpu.memory_space<hbm>>)
    return
  }
}

</mosaic_0001>

<sc_bundles>
// kernel: kernel.3.cloned.1.call-start
scs
__scs_entry_jumppad:
0x0: {  	(pc) =	sbr.rel $0x88, $3  }
0x1: {  	(tag) =	ssettag $0x0;
	lr =	simm.s32 $0x1  }
0x2: {  	[smem:$0x3F9F] =	sst lr;
	_ =	strace $0xD0000000  }
0x3: {  	_ = 	snop  }
0x4: {  	_ = 	snop  }
0x5: {  	_ = 	snop  }
0x6: {  	_ = 	snop  }
0x7: {  	_ = 	snop  }
__scs_overlays_trampoline_lowered:
0x8: {  	[smem:$0x3FAE] =	sst s0  }
0x9: {  	[smem:$0x3FAF] =	sst s1  }
0xa: {  	[smem:$0x3FB0] =	sst s2  }
0xb: {  	[smem:$0x3FB1] =	sst s3  }
0xc: {  	[smem:$0x3FB2] =	sst s4  }
0xd: {  	[smem:$0x3FB3] =	sst s5  }
0xe: {  	[smem:$0x3FB4] =	sst s6  }
0xf: {  	[smem:$0x3FB5] =	sst s7  }
0x10: {  	[smem:$0x3FB6] =	sst s8  }
0x11: {  	[smem:$0x3FB7] =	sst s9;
	s0 =	simm.s32 @!p0 $0x0  }
0x12: {  	s1 =	sld [smem:$0x3F9D];
	s0 =	simm.s32 @p0 $0x1  }
0x13: {  	[smem:$0x3FB8] =	sst s0;
	s0 =	simm.s32 @!p1 $0x0  }
0x14: {  	s2 =	sld [smem:$0x3F9C];
	s0 =	simm.s32 @p1 $0x1  }
0x15: {  	[smem:$0x3FB9] =	sst s0;
	s0 =	simm.s32 @!p2 $0x0  }
0x16: {  	s3 =	sld [smem:$0x3FDB];
	s0 =	simm.s32 @p2 $0x1  }
0x17: {  	s4 =	simm.s32 $0x1BF5;
	[smem:$0x3FBB] =	sst s0  }
0x18: {  	s0 =	sld [smem:$0x3F9E];
	_ =	swait.ge [sflag:s4], $0x0  }
0x19: {  	s7 =	sld [smem:$0x3F9F]  }
0x1a: {  	s8 =	sadd.s32 $0xFFFFE003, lr  }
0x1b: {  	s9 =	sadd.s32 $0xFFFFFEF7, lr;
	s5 =	simm.s32 $0xFFFFFFFF;
	p2 =	slt.u32 s8, $0xFFFFF086  }
0x1c: {  	p1 =	slt.u32 s9, $0xF7A;
	s5 =	simm.s32 @!p2 $0x0  }
0x1d: {  	s5 =	simm.s32 @p1 $0x1;
	p0 =	seq.s32 s7, s2  }
0x1e: {  	s7 =	smul.u32 @!p0 $0xF7A, s2;
	p2 =	seq.s32 @!p0 s5, $0x0  }
0x1f: {  	s9 =	smul.u32 $0xF7A, s1;
	s8 =	simm.s32 @!p0 $0x1BF5;
	p2 =	por !p2, p0  }
0x20: {  	[sflag:s8] =	ssyncset.s32 @!p0 $0xFFFFF086;
	s6 =	sadd.s32 @!p0 s3, s7;
	s7 =	simm.s32 @!p0 $0x108  }
0x21: {  	s3 =	sadd.s32 s3, s9;
	s6 =	sadd.s32 @!p0 $0x88, s6;
	s7 =	simm.s32 @p2 $0x1082  }
0x22: {  	[simem:s7], [sflag:s8] =	dma.local @!p0 [hbm:s6], $0xF7A  }
0x23: {  	s9 =	sor.u32 $0xD0000000, s2;
	s6 =	simm.s32 $0x108;
	_ =	swait.ge @!p0 [sflag:s8], $0x0  }
0x24: {  	s3 =	sadd.s32 $0x88, s3;
	s6 =	simm.s32 @!p1 $0x1082;
	[sflag:s4] =	ssyncset.s32 $0xFFFFF086  }
0x25: {  	[simem:s6], [sflag:s4] =	dma.local [hbm:s3], $0xF7A  }
0x26: {  	[smem:$0x3F9F] =	sst s1;
	(tag) =	ssettag s2;
	_ =	strace s9  }
0x27: {  	s1 =	sld [smem:$0x3FAF]  }
0x28: {  	s2 =	sld [smem:$0x3FB0]  }
0x29: {  	s4 =	sld [smem:$0x3FB2]  }
0x2a: {  	p0 =	seq.s32 s5, $0x0;
	s5 =	sld [smem:$0x3FB3]  }
0x2b: {  	s6 =	sld [smem:$0x3FB4]  }
0x2c: {  	s7 =	sld [smem:$0x3FB5]  }
0x2d: {  	s3 =	simm.s32 $0x108;
	s8 =	sld [smem:$0x3FB6]  }
0x2e: {  	s3 =	simm.s32 @!p0 $0x1082;
	s9 =	sld [smem:$0x3FB7]  }
0x2f: {  	lr =	sadd.s32 s0, s3;
	s0 =	sld [smem:$0x3FAE]  }
0x30: {  	s3 =	sld [smem:$0x3FB1]  }
0x31: {  	[smem:$0x3FBA] =	sst s10  }
0x32: {  	s10 =	sld [smem:$0x3FB8];
	_ =	sdelay $0x3  }
0x33: {  	p0 =	seq.s32 s10, $0x1;
	s10 =	sld [smem:$0x3FBA];
	_ =	sdelay $0x3  }
0x34: {  	[smem:$0x3FBA] =	sst s10  }
0x35: {  	s10 =	sld [smem:$0x3FB9];
	_ =	sdelay $0x3  }
0x36: {  	p1 =	seq.s32 s10, $0x1;
	s10 =	sld [smem:$0x3FBA];
	_ =	sdelay $0x3  }
0x37: {  	[smem:$0x3FBA] =	sst s10  }
0x38: {  	s10 =	sld [smem:$0x3FBB]  }
0x39: {  	_ = 	snop;
	(pc) =	sbr.ind lr, $3  }
0x3a: {  	_ = 	snop  }
0x3b: {  	_ = 	snop  }
0x3c: {  	p2 =	seq.s32 s10, $0x1;
	s10 =	sld [smem:$0x3FBA]  }
0x3d: {  	_ =	shalt  }
0x3e: {  	_ =	shalt  }
0x3f: {  	_ =	shalt  }
0x40: {  	_ =	shalt  }
0x41: {  	_ =	shalt  }
0x42: {  	_ =	shalt  }
0x43: {  	_ =	shalt  }
0x44: {  	_ =	shalt  }
0x45: {  	_ =	shalt  }
0x46: {  	_ =	shalt  }
0x47: {  	_ =	shalt  }
0x48: {  	_ =	shalt  }
0x49: {  	_ =	shalt  }
0x4a: {  	_ =	shalt  }
0x4b: {  	_ =	shalt  }
0x4c: {  	_ =	shalt  }
0x4d: {  	_ =	shalt  }
0x4e: {  	_ =	shalt  }
0x4f: {  	_ =	shalt  }
0x50: {  	_ =	shalt  }
0x51: {  	_ =	shalt  }
0x52: {  	_ =	shalt  }
0x53: {  	_ =	shalt  }
0x54: {  	_ =	shalt  }
0x55: {  	_ =	shalt  }
0x56: {  	_ =	shalt  }
0x57: {  	_ =	shalt  }
0x58: {  	_ =	shalt  }
0x59: {  	_ =	shalt  }
0x5a: {  	_ =	shalt  }
0x5b: {  	_ =	shalt  }
0x5c: {  	_ =	shalt  }
0x5d: {  	_ =	shalt  }
0x5e: {  	_ =	shalt  }
0x5f: {  	_ =	shalt  }
0x60: {  	_ =	shalt  }
0x61: {  	_ =	shalt  }
0x62: {  	_ =	shalt  }
0x63: {  	_ =	shalt  }
0x64: {  	_ =	shalt  }
0x65: {  	_ =	shalt  }
0x66: {  	_ =	shalt  }
0x67: {  	_ =	shalt  }
0x68: {  	_ =	shalt  }
0x69: {  	_ =	shalt  }
0x6a: {  	_ =	shalt  }
0x6b: {  	_ =	shalt  }
0x6c: {  	_ =	shalt  }
0x6d: {  	_ =	shalt  }
0x6e: {  	_ =	shalt  }
0x6f: {  	_ =	shalt  }
0x70: {  	_ =	shalt  }
0x71: {  	_ =	shalt  }
0x72: {  	_ =	shalt  }
0x73: {  	_ =	shalt  }
0x74: {  	_ =	shalt  }
0x75: {  	_ =	shalt  }
0x76: {  	_ =	shalt  }
0x77: {  	_ =	shalt  }
0x78: {  	_ =	shalt  }
0x79: {  	_ =	shalt  }
0x7a: {  	_ =	shalt  }
0x7b: {  	_ =	shalt  }
0x7c: {  	_ =	shalt  }
0x7d: {  	_ =	shalt  }
0x7e: {  	_ =	shalt  }
0x7f: {  	_ =	shalt  }
0x80: {  	_ =	shalt  }
0x81: {  	_ =	shalt  }
0x82: {  	_ =	shalt  }
0x83: {  	_ =	shalt  }
0x84: {  	_ =	shalt  }
0x85: {  	_ =	shalt  }
0x86: {  	_ =	shalt  }
0x87: {  	_ =	shalt  }
.Lfunc_end0:
.L_simem_size_0:
called_computation_lowered:
.L_overlay_start_0:
0x88: {  	s2 =	sld [smem:$0x3FD9]  }
0x89: {  	s3 =	sld [smem:$0x3FFE];
	_ =	sdelay $0x1  }
0x8a: {  	s1 =	srdreg.scid  }
0x8b: {  	s0 =	sand.u32 $0x1, s1  }
0x8c: {  	s17 =	sshll.u32 s0, $0xA;
	s2 =	sadd.s32 s3, s2  }
0x8d: {  	s2 =	sadd.s32 s2, s17  }
0x8e: {  	[smem:$0x3FC6] =	sst s2  }
0x8f: {  	_ = 	snop  }
0x90: {  	s2 =	sld [smem:$0x3FD0];
	(tm) =	ssettm $0x1  }
0x91: {  	s18 =	sld [smem:$0x3FFB];
	_ =	sdelay $0x3  }
0x92: {  	_ =	strace s18  }
0x93: {  	s3 =	sld [smem:$0x3FFC];
	_ =	sdelay $0x3  }
0x94: {  	_ =	strace s3  }
0x95: {  	s3 =	sld [smem:$0x3FFD];
	_ =	sdelay $0x3  }
0x96: {  	_ =	strace s3  }
0x97: {  	_ =	strace $0x8FFFFFFF  }
0x98: {  	s19 =	sld [smem:$0x3FDB];
	_ =	sdelay $0x1  }
0x99: {  	s4 =	simm.s32 $_scs_section_size  }
0x9a: {  	s5 =	simm.s32 $_size__tile_overlayer_lowered;
	s6 =	simm.s32 $_tile_overlayer_lowered  }
0x9b: {  	s22 =	simm.s32 $0x1BFF;
	s21 =	sshll.u32 s6, $0x1;
	s3 =	sadd.s32 s4, s19  }
0x9c: {  	s7 =	simm.s32 $0x0;
	s20 =	sshll.u32 s5, $0x1;
	s5 =	sadd.s32 s21, s3  }
0x9d: {  	[timem:s7], [sflag:s22] =	dma.local [hbm:s5], s20  }
0x9e: {  	_ =	swait.ge [sflag:s22], s20  }
0x9f: {  	s4 =	ssub.s32 $0x0, s20;
	[sflag:s22] =	ssyncset.done $0x0  }
0xa0: {  	[sflag:s22] =	ssyncadd.s32 s4;
	_ =	sdelay $0x1  }
0xa1: {  	s23 =	simm.s32 $0x1B8B  }
0xa2: {  	_ =	swait.ge [sflag:s23], $0x1  }
0xa3: {  	[sflag:s23] =	ssyncset.done $0x0  }
0xa4: {  	s25 =	simm.s32 $0x1B8E;
	s24 =	sld [smem:$0x3FFE];
	[sflag:s23] =	ssyncadd.s32 $0xFFFFFFFF  }
0xa5: {  	s26 =	simm.s32 $execute0_lowered;
	[smem:$0x3FD2] =	sst s25  }
0xa6: {  	s5 =	sshll.u32 s26, $0x1;
	_ =	strace $0x80000046;
	[dreg:$0x1] =	wrdreg $0xFFFFFFFF  }
0xa7: {  	s28 =	simm.s32 $_size_execute0_lowered;
	s3 =	sadd.s32 s3, s5;
	[dreg:$0x0] =	wrdreg $0x0  }
0xa8: {  	s5 =	sshll.u32 s28, $0x1;
	[dreg:$0x2] =	wrdreg s3  }
0xa9: {  	[dreg:$0x3] =	wrdreg s5  }
0xaa: {  	[dreg:$0x4] =	wrdreg $0xC0  }
0xab: {  	_ =	task [dreg:s7], $0x5FFFF  }
0xac: {  	[dreg:$0x1] =	wrdreg $0xFFFFFFFF  }
0xad: {  	[dreg:$0x0] =	wrdreg $0x60  }
0xae: {  	[dreg:$0x2] =	wrdreg s24  }
0xaf: {  	[dreg:$0x3] =	wrdreg s2  }
0xb0: {  	[dreg:$0x4] =	wrdreg $0x0  }
0xb1: {  	[dreg:$0x5] =	wrdreg $0x9  }
0xb2: {  	_ =	task.clear_ibuf [dreg:s7], $0x6FFFF;
	_ =	strace $0x90000046  }
0xb3: {  	s29 =	simm.s32 $0x9;
	_ =	strace $0x80000048  }
0xb4: {  	_ =	swait.ge [sflag:s29], $0x1  }
0xb5: {  	[sflag:s29] =	ssyncadd.s32 $0xFFFFFFFF  }
0xb6: {  	_ =	strace $0x90000048  }
0xb7: {  	_ =	sfence  }
0xb8: {  	s30 =	sld [smem:$0x0];
	_ =	sdelay $0x2  }
0xb9: {  	s31 =	sshll.u32 s1, $0xD;
	s1 =	sshrl.u32 s1, $0x2  }
0xba: {  	s3 =	sand.u32 $0x4000, s31;
	s1 =	sadd.s32 s1, s30  }
0xbb: {  	s0 =	sor.u32 s3, s0;
	s1 =	sshll.u32 s1, $0x11  }
0xbc: {  	s0 =	sor.u32 s1, s0  }
0xbd: {  	s0 =	sadd.s32 $0x8F2B, s0  }
0xbe: {  	[sflag:s0] =	ssyncadd.remote.s32 $0x1  }
0xbf: {  	_ =	sfence.sel $0xFFFF  }
0xc0: {  	[dreg:$0x0] =	wrdreg $0xFFFFFFFF;
	(pc) =	sbr.abs _section_cstart, $3  }
0xc1: {  	[dreg:$0x1] =	wrdreg $0xFFFFFFFF  }
0xc2: {  	_ =	task.clear_ibuf [dreg:s7], $0x2FFFF;
	_ =	strace $0x9FFFFFFF  }
0xc3: {  	(tm) =	ssettm $0x7FFFFFFF  }
tec
execute0_lowered:
.L_overlay_start_1:
0x0: {  	(tag) =	ssettag $0x1  }
0x1: {  	s1 =	rddreg [dreg:$0x0]  }
0x2: {  	s5 =	rddreg [dreg:$0x1]  }
0x3: {  	s3 =	srdreg.scid;
	s0 =	stileid.u32  }
0x4: {  	s2 =	rddreg [dreg:$0x2];
	s28 =	simm.s32 $0x18A28;
	s29 =	simm.s32 $0x1  }
0x5: {  	s30 =	simm.s32 $0x2;
	s6 =	sand.u32 $0x1, s3;
	s4 =	sshll.u32 s0, $0x1  }
0x6: {  	s31 =	simm.s32 $0x0;
	s3 =	simm.s32 $0x0;
	s4 =	sor.u32 s6, s4  }
0x7: {  	[smem:$0x7FF] =	sst s3;
	s6 =	ssub.s32 $0x2, s6;
	s7 =	smul.u32 $0x19000, s4  }
0x8: {  	_ =	strace $0x80000047;
	s4 =	sadd.s32 $0x200, s1;
	s8 =	sshrl.u32 s6, $0x1  }
0x9: {  	s1 =	sadd.s32 $0x1EC00, s1;
	s6 =	ssub.s32 s6, s8;
	s7 =	sshrl.u32 s7, $0x3  }
0xa: {  	s9 =	sadd.s32 $0x640, s7;
	s20 =	sadd.s32 s5, s7;
	s22 =	sadd.s32 s1, s7  }
0xb: {  	s11 =	sadd.s32 $0xC80, s7;
	s13 =	sadd.s32 $0x12C0, s7;
	s15 =	sadd.s32 $0x1900, s7  }
0xc: {  	s17 =	sadd.s32 $0x1F40, s7;
	s19 =	sadd.s32 $0x2580, s7;
	[dreg:$0x4] =	wrdreg s20  }
0xd: {  	s7 =	sadd.s32 $0x2BC0, s7;
	s21 =	sadd.s32 s5, s9;
	[dreg:$0x6] =	wrdreg s22  }
0xe: {  	s23 =	sadd.s32 s5, s11;
	s24 =	sadd.s32 s1, s9;
	s25 =	sadd.s32 s5, s13  }
0xf: {  	s26 =	sadd.s32 s1, s11;
	s12 =	sadd.s32 s5, s15;
	s13 =	sadd.s32 s1, s13  }
0x10: {  	s14 =	sadd.s32 s5, s17;
	s15 =	sadd.s32 s1, s15;
	[dreg:$0x5] =	wrdreg s21  }
0x11: {  	s16 =	sadd.s32 s5, s19;
	s17 =	sadd.s32 s1, s17;
	[dreg:$0x7] =	wrdreg s23  }
0x12: {  	s18 =	sadd.s32 s5, s7;
	s19 =	sadd.s32 s1, s19;
	[dreg:$0x8] =	wrdreg s24  }
0x13: {  	s20 =	sadd.s32 s1, s7;
	s22 =	simm.s32 $0xF428;
	[dreg:$0x9] =	wrdreg s25  }
0x14: {  	[dreg:$0xa] =	wrdreg s26;
	s21 =	smax.u32 s6, $0x1;
	s23 =	simm.s32 $0x3  }
0x15: {  	s24 =	simm.s32 $0x12628;
	s25 =	simm.s32 $0x3200;
	s26 =	simm.s32 $0x15828  }
.LBB2_1:
0x16: {  	s1 =	sand.u32 $0xF, s3  }
0x17: {  	p0 =	sne.s32 s1, s0  }
0x18: {  	s1 =	simm.s32 @!p0 $0x0;
	s5 =	simm.s32 @!p0 $0x15828;
	s7 =	simm.s32 @!p0 $0x4  }
0x19: {  	[tilespmem:s5], [sflag:$0x4] =	stream.linear.gather @!p0 [hbm4b:s4+s1], $0x2710, $0x38;
	[tilespmem:$0x1BC28] =	vst v63  }
0x1a: {  	s11 =	simm.s32 $0x1;
	s6 =	simm.s32 $0x2;
	_ =	swait.ge @!p0 [sflag:s7], $0x2710  }
0x1b: {  	s1 =	sand.u32 $0xF, s11;
	[sflag:s7] =	ssyncset.done @!p0 $0x0;
	p0 =	por p0, p0  }
0x1c: {  	p1 =	sne.s32 s1, s0;
	[sflag:s7] =	ssyncadd.s32 @!p0 $0xFFFFD8F0;
	s7 =	simm.s32 @!p0 $0x3  }
0x1d: {  	[spmem:s2] =	stream.linear.scatter @!p0 [tilespmem:s5], [sflag:$0x3], $0x2710, $0x38;
	[tilespmem:$0x1BC28] =	vst v63  }
0x1e: {  	s1 =	sadd.s32 $0x2710, s2;
	s5 =	sadd.s32 $0x4E2, s4;
	_ =	swait.ge @!p0 [sflag:s7], $0x2710  }
.LBB2_2:
0x1f: {  	s8 =	simm.s32 @!p1 $0x0;
	s9 =	simm.s32 @!p1 $0x15828  }
0x20: {  	[sflag:s7] =	ssyncset.done @!p0 $0x0;
	s10 =	smov.u32 s6;
	s6 =	sadd.s32 $0x1, s6  }
0x21: {  	s11 =	simm.s32 @!p1 $0x4;
	[sflag:s7] =	ssyncadd.s32 @!p0 $0xFFFFD8F0;
	p2 =	sne.s32 s6, $0x64  }
0x22: {  	[tilespmem:s9], [sflag:$0x4] =	stream.linear.gather @!p1 [hbm4b:s5+s8], $0x2710, $0x38;
	[tilespmem:$0x1BC28] =	vst v63  }
.Ltmp0:
0x23: {  	_ =	swait.ge @!p1 [sflag:s11], $0x2710;
	(pc) =	sbr.rel @p2 .LBB2_2-.Ltmp0, $4  }
0x24: {  	p0 =	por p1, p1;
	s5 =	sadd.s32 $0x4E2, s5;
	[sflag:s11] =	ssyncset.done @!p1 $0x0  }
0x25: {  	s8 =	sand.u32 $0xF, s10;
	s7 =	simm.s32 @!p0 $0x3;
	[sflag:s11] =	ssyncadd.s32 @!p0 $0xFFFFD8F0  }
0x26: {  	[spmem:s1] =	stream.linear.scatter @!p0 [tilespmem:s9], [sflag:$0x3], $0x2710, $0x38;
	[tilespmem:$0x1BC28] =	vst v63  }
0x27: {  	p1 =	sne.s32 s8, s0;
	s1 =	sadd.s32 $0x2710, s1;
	_ =	swait.ge @!p0 [sflag:s7], $0x2710  }
0x28: {  	[sflag:s7] =	ssyncset.done @!p0 $0x0  }
0x29: {  	s6 =	simm.s32 @!p1 $0x0;
	[sflag:s7] =	ssyncadd.s32 @!p0 $0xFFFFD8F0;
	s7 =	simm.s32 @!p1 $0x15828  }
0x2a: {  	[tilespmem:s7], [sflag:$0x4] =	stream.linear.gather @!p1 [hbm4b:s5+s6], $0x2710, $0x38;
	[tilespmem:$0x1BC28] =	vst v63  }
0x2b: {  	s5 =	simm.s32 @!p1 $0x4  }
0x2c: {  	_ =	swait.ge @!p1 [sflag:s5], $0x2710  }
0x2d: {  	p0 =	por p1, p1;
	[sflag:s5] =	ssyncset.done @!p1 $0x0  }
0x2e: {  	[sflag:s5] =	ssyncadd.s32 @!p0 $0xFFFFD8F0  }
0x2f: {  	[spmem:s1] =	stream.linear.scatter @!p0 [tilespmem:s7], [sflag:$0x3], $0x2710, $0x38;
	[tilespmem:$0x1BC28] =	vst v63  }
0x30: {  	s1 =	simm.s32 @!p0 $0x3  }
0x31: {  	_ =	swait.ge @!p0 [sflag:s1], $0x2710  }
0x32: {  	[sflag:s1] =	ssyncset.done @!p0 $0x0  }
0x33: {  	s5 =	rddreg [dreg:$0x4];
	[sflag:s1] =	ssyncadd.s32 @!p0 $0xFFFFD8F0  }
0x34: {  	[tilespmem:s22], [sflag:$0x3] =	stream.linear.gather [hbm4b:s5+s3], $0x3200, $0x38;
	[tilespmem:$0x1BC28] =	vst v63  }
0x35: {  	_ =	swait.ge [sflag:s23], $0x3200  }
0x36: {  	[sflag:s23] =	ssyncset.done $0x0  }
0x37: {  	s6 =	rddreg [dreg:$0x5];
	[sflag:s23] =	ssyncadd.s32 $0xFFFFCE00  }
0x38: {  	[tilespmem:s24], [sflag:$0x3] =	stream.linear.gather [hbm4b:s6+s3], $0x3200, $0x38;
	[tilespmem:$0x1BC28] =	vst v63  }
0x39: {  	_ =	swait.ge [sflag:s23], $0x3200  }
0x3a: {  	[sflag:s23] =	ssyncset.done $0x0  }
0x3b: {  	[sflag:s23] =	ssyncadd.s32 $0xFFFFCE00  }
0x3c: {  	[bflag:$0x0] =	sbarrier.arrive $0xFFFF  }
0x3d: {  	[tilespmem:s26], [sflag:$0x1] =	stream.indirect.gather [spmem:s2], $0x1, s22, s25, $0xb8;
	[tilespmem:$0x1BC28] =	vst v63  }
0x3e: {  	_ = 	snop  }
0x3f: {  	[tilespmem:s28], [sflag:$0x1] =	stream.indirect.gather [spmem:s2], $0x1, s24, s25, $0xb8;
	[tilespmem:$0x1BC28] =	vst v63  }
0x40: {  	_ =	swait.ge [sflag:s29], $0x3200  }
0x41: {  	[sflag:s29] =	ssyncset.done $0x0  }
0x42: {  	s7 =	rddreg [dreg:$0x6];
	[sflag:s29] =	ssyncadd.s32 $0xFFFFCE00  }
0x43: {  	[hbm4b:s7+s3] =	stream.linear.scatter [tilespmem:s26], [sflag:$0x2], $0x3200, $0x38;
	[tilespmem:$0x1BC28] =	vst v63  }
0x44: {  	s8 =	rddreg [dreg:$0x7]  }
0x45: {  	[tilespmem:s22], [sflag:$0x3] =	stream.linear.gather [hbm4b:s8+s3], $0x3200, $0x38;
	[tilespmem:$0x1BC28] =	vst v63  }
0x46: {  	_ =	swait.ge [sflag:s23], $0x3200  }
0x47: {  	[sflag:s23] =	ssyncset.done $0x0  }
0x48: {  	[sflag:s23] =	ssyncadd.s32 $0xFFFFCE00  }
0x49: {  	_ =	swait.ge [sflag:s30], $0x3200  }
0x4a: {  	[sflag:s30] =	ssyncset.done $0x0  }
0x4b: {  	[sflag:s30] =	ssyncadd.s32 $0xFFFFCE00  }
0x4c: {  	[tilespmem:s26], [sflag:$0x1] =	stream.indirect.gather [spmem:s2], $0x1, s22, s25, $0xb8;
	[tilespmem:$0x1BC28] =	vst v63  }
0x4d: {  	_ =	swait.ge [sflag:s29], $0x3200  }
0x4e: {  	[sflag:s29] =	ssyncset.done $0x0  }
0x4f: {  	s9 =	rddreg [dreg:$0x8];
	[sflag:s29] =	ssyncadd.s32 $0xFFFFCE00  }
0x50: {  	[hbm4b:s9+s3] =	stream.linear.scatter [tilespmem:s28], [sflag:$0x2], $0x3200, $0x38;
	[tilespmem:$0x1BC28] =	vst v63  }
0x51: {  	s10 =	rddreg [dreg:$0x9]  }
0x52: {  	[tilespmem:s24], [sflag:$0x3] =	stream.linear.gather [hbm4b:s10+s3], $0x3200, $0x38;
	[tilespmem:$0x1BC28] =	vst v63  }
0x53: {  	_ =	swait.ge [sflag:s23], $0x3200  }
0x54: {  	[sflag:s23] =	ssyncset.done $0x0  }
0x55: {  	[sflag:s23] =	ssyncadd.s32 $0xFFFFCE00  }
0x56: {  	_ =	swait.ge [sflag:s30], $0x3200  }
0x57: {  	[sflag:s30] =	ssyncset.done $0x0  }
0x58: {  	[sflag:s30] =	ssyncadd.s32 $0xFFFFCE00  }
0x59: {  	[tilespmem:s28], [sflag:$0x1] =	stream.indirect.gather [spmem:s2], $0x1, s24, s25, $0xb8;
	[tilespmem:$0x1BC28] =	vst v63  }
0x5a: {  	_ =	swait.ge [sflag:s29], $0x3200  }
0x5b: {  	[sflag:s29] =	ssyncset.done $0x0  }
0x5c: {  	s11 =	rddreg [dreg:$0xa];
	[sflag:s29] =	ssyncadd.s32 $0xFFFFCE00  }
0x5d: {  	[hbm4b:s11+s3] =	stream.linear.scatter [tilespmem:s26], [sflag:$0x2], $0x3200, $0x38;
	[tilespmem:$0x1BC28] =	vst v63  }
0x5e: {  	_ = 	snop  }
0x5f: {  	[tilespmem:s22], [sflag:$0x3] =	stream.linear.gather [hbm4b:s12+s3], $0x3200, $0x38;
	[tilespmem:$0x1BC28] =	vst v63  }
0x60: {  	_ =	swait.ge [sflag:s23], $0x3200  }
0x61: {  	[sflag:s23] =	ssyncset.done $0x0  }
0x62: {  	[sflag:s23] =	ssyncadd.s32 $0xFFFFCE00  }
0x63: {  	_ =	swait.ge [sflag:s30], $0x3200  }
0x64: {  	[sflag:s30] =	ssyncset.done $0x0  }
0x65: {  	[sflag:s30] =	ssyncadd.s32 $0xFFFFCE00  }
0x66: {  	[tilespmem:s26], [sflag:$0x1] =	stream.indirect.gather [spmem:s2], $0x1, s22, s25, $0xb8;
	[tilespmem:$0x1BC28] =	vst v63  }
0x67: {  	_ =	swait.ge [sflag:s29], $0x3200  }
0x68: {  	[sflag:s29] =	ssyncset.done $0x0  }
0x69: {  	[sflag:s29] =	ssyncadd.s32 $0xFFFFCE00  }
0x6a: {  	[hbm4b:s13+s3] =	stream.linear.scatter [tilespmem:s28], [sflag:$0x2], $0x3200, $0x38;
	[tilespmem:$0x1BC28] =	vst v63  }
0x6b: {  	_ = 	snop  }
0x6c: {  	[tilespmem:s24], [sflag:$0x3] =	stream.linear.gather [hbm4b:s14+s3], $0x3200, $0x38;
	[tilespmem:$0x1BC28] =	vst v63  }
0x6d: {  	_ =	swait.ge [sflag:s23], $0x3200  }
0x6e: {  	[sflag:s23] =	ssyncset.done $0x0  }
0x6f: {  	[sflag:s23] =	ssyncadd.s32 $0xFFFFCE00  }
0x70: {  	_ =	swait.ge [sflag:s30], $0x3200  }
0x71: {  	[sflag:s30] =	ssyncset.done $0x0  }
0x72: {  	[sflag:s30] =	ssyncadd.s32 $0xFFFFCE00  }
0x73: {  	[tilespmem:s28], [sflag:$0x1] =	stream.indirect.gather [spmem:s2], $0x1, s24, s25, $0xb8;
	[tilespmem:$0x1BC28] =	vst v63  }
0x74: {  	_ =	swait.ge [sflag:s29], $0x3200  }
0x75: {  	[sflag:s29] =	ssyncset.done $0x0  }
0x76: {  	[sflag:s29] =	ssyncadd.s32 $0xFFFFCE00  }
0x77: {  	[hbm4b:s15+s3] =	stream.linear.scatter [tilespmem:s26], [sflag:$0x2], $0x3200, $0x38;
	[tilespmem:$0x1BC28] =	vst v63  }
0x78: {  	_ = 	snop  }
0x79: {  	[tilespmem:s22], [sflag:$0x3] =	stream.linear.gather [hbm4b:s16+s3], $0x3200, $0x38;
	[tilespmem:$0x1BC28] =	vst v63  }
0x7a: {  	_ =	swait.ge [sflag:s23], $0x3200  }
0x7b: {  	[sflag:s23] =	ssyncset.done $0x0  }
0x7c: {  	[sflag:s23] =	ssyncadd.s32 $0xFFFFCE00  }
0x7d: {  	_ =	swait.ge [sflag:s30], $0x3200  }
0x7e: {  	[sflag:s30] =	ssyncset.done $0x0  }
0x7f: {  	[sflag:s30] =	ssyncadd.s32 $0xFFFFCE00  }
0x80: {  	[tilespmem:s26], [sflag:$0x1] =	stream.indirect.gather [spmem:s2], $0x1, s22, s25, $0xb8;
	[tilespmem:$0x1BC28] =	vst v63  }
0x81: {  	_ =	swait.ge [sflag:s29], $0x3200  }
0x82: {  	[sflag:s29] =	ssyncset.done $0x0  }
0x83: {  	[sflag:s29] =	ssyncadd.s32 $0xFFFFCE00  }
0x84: {  	[hbm4b:s17+s3] =	stream.linear.scatter [tilespmem:s28], [sflag:$0x2], $0x3200, $0x38;
	[tilespmem:$0x1BC28] =	vst v63  }
0x85: {  	_ = 	snop  }
0x86: {  	[tilespmem:s24], [sflag:$0x3] =	stream.linear.gather [hbm4b:s18+s3], $0x3200, $0x38;
	[tilespmem:$0x1BC28] =	vst v63  }
0x87: {  	_ =	swait.ge [sflag:s23], $0x3200  }
0x88: {  	[sflag:s23] =	ssyncset.done $0x0  }
0x89: {  	[sflag:s23] =	ssyncadd.s32 $0xFFFFCE00  }
0x8a: {  	_ =	swait.ge [sflag:s30], $0x3200  }
0x8b: {  	[sflag:s30] =	ssyncset.done $0x0  }
0x8c: {  	[sflag:s30] =	ssyncadd.s32 $0xFFFFCE00  }
0x8d: {  	[tilespmem:s28], [sflag:$0x1] =	stream.indirect.gather [spmem:s2], $0x1, s24, s25, $0xb8;
	[tilespmem:$0x1BC28] =	vst v63  }
0x8e: {  	_ =	swait.ge [sflag:s29], $0x3200  }
0x8f: {  	[sflag:s29] =	ssyncset.done $0x0  }
0x90: {  	[sflag:s29] =	ssyncadd.s32 $0xFFFFCE00  }
0x91: {  	[hbm4b:s19+s3] =	stream.linear.scatter [tilespmem:s26], [sflag:$0x2], $0x3200, $0x38;
	[tilespmem:$0x1BC28] =	vst v63  }
0x92: {  	_ =	swait.ge [sflag:s30], $0x3200  }
0x93: {  	[sflag:s30] =	ssyncset.done $0x0  }
0x94: {  	[sflag:s30] =	ssyncadd.s32 $0xFFFFCE00  }
0x95: {  	s31 =	sadd.s32 $0x1, s31;
	_ =	swait.ge [sflag:s29], $0x3200  }
0x96: {  	p0 =	sne.s32 s31, s21;
	[sflag:s29] =	ssyncset.done $0x0  }
.Ltmp1:
0x97: {  	[sflag:s29] =	ssyncadd.s32 $0xFFFFCE00;
	(pc) =	sbr.rel @p0 .LBB2_1-.Ltmp1, $4  }
0x98: {  	[hbm4b:s20+s3] =	stream.linear.scatter [tilespmem:s28], [sflag:$0x2], $0x3200, $0x38;
	[tilespmem:$0x1BC28] =	vst v63  }
0x99: {  	_ =	swait.ge [sflag:s30], $0x3200  }
0x9a: {  	[sflag:s30] =	ssyncset.done $0x0  }
0x9b: {  	[sflag:s30] =	ssyncadd.s32 $0xFFFFCE00  }
0x9c: {  	_ =	sfence.sel $0x180000  }
0x9d: {  	[bflag:$0x0] =	sbarrier.arrive $0xFFFF  }
0x9e: {  	_ =	strace $0x90000047  }
0x9f: {  	[bflag:$0x2] =	sbarrier.arrive $0xFFFF  }
0xa0: {  	p0 =	sne.s32 s0, $0x0;
	s0 =	rddreg [dreg:$0x3]  }
0xa1: {  	s0 =	sadd.s32 @!p0 $0x100000, s0  }
0xa2: {  	[sflag:s0] =	ssyncadd.tile.s32 @!p0 $0x1;
	_ =	shalt  }
.Lfunc_end2:
_tile_overlayer_lowered:
.L_overlay_start_2:
0xa3: {  	(tag) =	ssettag $0x2  }
0xa4: {  	s0 =	rddreg [dreg:$0x0];
	s2 =	stileid.u32  }
0xa5: {  	s1 =	rddreg [dreg:$0x1];
	p0 =	sne.s32 s2, $0x0  }
0xa6: {  	s3 =	rddreg [dreg:$0x2];
	[bflag:$0x3] =	sbarrier.arrive $0xFFFF;
	s2 =	simm.s32 @!p0 $0x1C03  }
0xa7: {  	[timem:s3], [sflag:s2] =	dma.local @!p0 [hbm:s0], s1  }
0xa8: {  	s0 =	simm.s32 @!p0 $0x3  }
0xa9: {  	_ =	swait.ge @!p0 [sflag:s0], s1  }
0xaa: {  	s1 =	ssub.s32 @!p0 $0x0, s1;
	[sflag:s0] =	ssyncset.done @!p0 $0x0  }
0xab: {  	[sflag:s0] =	ssyncadd.s32 @!p0 s1  }
0xac: {  	[bflag:$0x3] =	sbarrier.arrive $0xFFFF  }
0xad: {  	_ =	shalt  }

</sc_bundles>
